<compile_context>
chip_gen: v7x
topology: tpu7x:2x2x1
jax: 0.10.2.dev20260603
libtpu: 0.0.44.dev20260713+nightly
codegen_flags: <defaults>
</compile_context>

<pallas_src>
import functools
import jax
import jax.numpy as jnp
from jax import lax
from jax.experimental import pallas as pl
from jax.experimental.pallas import tpu as pltpu
from jax.experimental.pallas import tpu_sc as plsc

_L = 16


def _router_body(x_ref, gw_ref, gb_ref, idx_ref):
    n_e = gw_ref.shape[0]
    x = x_ref[...]
    logits = jax.lax.dot_general(
        x, gw_ref[...], (((1,), (1,)), ((), ())),
        preferred_element_type=jnp.float32)
    logits = logits + gb_ref[...]
    m = jnp.max(logits, axis=1, keepdims=True)
    p = jnp.exp(logits - m)
    p = p / jnp.sum(p, axis=1, keepdims=True)
    pm = jnp.max(p, axis=1, keepdims=True)
    ids = jax.lax.broadcasted_iota(jnp.int32, p.shape, 1)
    idx_ref[...] = jnp.min(jnp.where(p >= pm, ids, n_e), axis=1, keepdims=True)


def _make_sc_histogram(T, E):
    n_tc = T // _L
    n_ec = E // _L
    mesh = plsc.VectorSubcoreMesh(core_axis_name="c", subcore_axis_name="s")

    @functools.partial(
        pl.kernel, mesh=mesh,
        out_type=jax.ShapeDtypeStruct((E,), jnp.int32),
        scratch_types=[
            pltpu.VMEM((T,), jnp.int32),
            pltpu.VMEM((T,), jnp.int32),
            pltpu.VMEM((E,), jnp.int32),
            pltpu.VMEM_SHARED((E,), jnp.int32),
        ],
    )
    def hist(idx_hbm, cnt_hbm, idx_v, ones_v, cnt_v, cnt_s):
        wid = lax.axis_index("c") * 16 + lax.axis_index("s")

        @pl.when(wid == 0)
        def _():
            pltpu.sync_copy(idx_hbm, idx_v)
            zeros = jnp.zeros((_L,), jnp.int32)
            ones = jnp.ones((_L,), jnp.int32)
            for ch in range(n_ec):
                cnt_v[pl.ds(ch * _L, _L)] = zeros
            for ct in range(n_tc):
                ones_v[pl.ds(ct * _L, _L)] = ones
            pltpu.sync_copy(cnt_v, cnt_s)
            pltpu.sync_copy(ones_v, cnt_s.at[idx_v], add=True)
            pltpu.sync_copy(cnt_s, cnt_hbm)

    return hist


def _dispatch_body(cnt_ref, order_ref, nact_ref):
    n_e = cnt_ref.shape[1]
    active = cnt_ref[...] > 0
    iota_e = jax.lax.broadcasted_iota(jnp.int32, (1, n_e), 1)
    act_f = active.astype(jnp.float32)
    r = jax.lax.broadcasted_iota(jnp.int32, (n_e, n_e), 0)
    c = jax.lax.broadcasted_iota(jnp.int32, (n_e, n_e), 1)
    lt = (r < c).astype(jnp.float32)
    pos = jax.lax.dot_general(act_f, lt, (((1,), (0,)), ((), ())),
                              preferred_element_type=jnp.float32)
    pos = pos.astype(jnp.int32)
    nact_ref[...] = jnp.sum(active.astype(jnp.int32), axis=1, keepdims=True)
    posb = jnp.broadcast_to(pos, (n_e, n_e))
    actb = jnp.broadcast_to(active, (n_e, n_e))
    cmp = (posb == r) & actb
    order_raw = jnp.min(jnp.where(cmp, c, n_e), axis=1, keepdims=True)
    last_active = jnp.max(jnp.where(active, iota_e, -1))
    order_ref[...] = jnp.where(order_raw == n_e, last_active, order_raw)


def _expert_body(order_sm, nact_sm, idx_ref, x_ref, up_a, up_b, gp_a, gp_b,
                 dp_a, dp_b, out_ref):
    i = pl.program_id(0)

    @pl.when(i == 0)
    def _init():
        out_ref[...] = jnp.zeros_like(out_ref)

    @pl.when(i < nact_sm[0])
    def _compute():
        e = order_sm[i]
        cdims = (((1,), (1,)), ((), ()))
        mask = idx_ref[...] == e
        x = jnp.where(mask, x_ref[...], 0.0)
        y = jnp.zeros_like(out_ref)
        for gp_h, up_h, dp_h in ((gp_a, up_a, dp_a), (gp_b, up_b, dp_b)):
            g = jax.lax.dot_general(x, gp_h[0], cdims,
                                    preferred_element_type=jnp.float32)
            u = jax.lax.dot_general(x, up_h[0], cdims,
                                    preferred_element_type=jnp.float32)
            h = (g * jax.nn.sigmoid(g)) * u
            y = y + jax.lax.dot_general(h, dp_h[0], cdims,
                                        preferred_element_type=jnp.float32)
        out_ref[...] += y


def kernel(x, gate_W, gate_b, up_proj, gate_proj, down_proj):
    B, S, D = x.shape
    T = B * S
    E, H, _ = up_proj.shape
    Hh = H // 2
    xf = x.reshape(T, D)

    idx = pl.pallas_call(
        _router_body,
        grid=(1,),
        in_specs=[
            pl.BlockSpec((T, D), lambda i: (0, 0)),
            pl.BlockSpec((E, D), lambda i: (0, 0)),
            pl.BlockSpec((1, E), lambda i: (0, 0)),
        ],
        out_specs=pl.BlockSpec((T, 1), lambda i: (0, 0)),
        out_shape=jax.ShapeDtypeStruct((T, 1), jnp.int32),
    )(xf, gate_W, gate_b.reshape(1, E))

    cnt = _make_sc_histogram(T, E)(idx.reshape(T))

    order, nact = pl.pallas_call(
        _dispatch_body,
        grid=(1,),
        in_specs=[pl.BlockSpec((1, E), lambda i: (0, 0))],
        out_specs=[
            pl.BlockSpec((E, 1), lambda i: (0, 0)),
            pl.BlockSpec((1, 1), lambda i: (0, 0)),
        ],
        out_shape=[
            jax.ShapeDtypeStruct((E, 1), jnp.int32),
            jax.ShapeDtypeStruct((1, 1), jnp.int32),
        ],
    )(cnt.reshape(1, E))

    hd_a = pl.BlockSpec((1, Hh, D), lambda i, o, n: (o[i], 0, 0))
    hd_b = pl.BlockSpec((1, Hh, D), lambda i, o, n: (o[i], 1, 0))
    dh_a = pl.BlockSpec((1, D, Hh), lambda i, o, n: (o[i], 0, 0))
    dh_b = pl.BlockSpec((1, D, Hh), lambda i, o, n: (o[i], 0, 1))

    grid_spec = pltpu.PrefetchScalarGridSpec(
        num_scalar_prefetch=2,
        grid=(E,),
        in_specs=[
            pl.BlockSpec((T, 1), lambda i, o, n: (0, 0)),
            pl.BlockSpec((T, D), lambda i, o, n: (0, 0)),
            hd_a, hd_b, hd_a, hd_b, dh_a, dh_b,
        ],
        out_specs=pl.BlockSpec((T, D), lambda i, o, n: (0, 0)),
    )
    out = pl.pallas_call(
        _expert_body,
        grid_spec=grid_spec,
        out_shape=jax.ShapeDtypeStruct((T, D), x.dtype),
        compiler_params=pltpu.CompilerParams(
            dimension_semantics=("arbitrary",)),
    )(order.reshape(E), nact.reshape(1), idx, xf,
      up_proj, up_proj, gate_proj, gate_proj, down_proj, down_proj)
    return out.reshape(B, S, D)

# --- scband reference (transcript-rebuilt; emitter-appended) ---
"""Pipeline reference for scband-swi-glusparse-moe-8624294331063 (READ-ONLY COPY).

The authoritative reference and input builder live on the scoring server;
editing this copy changes nothing except your own understanding.
"""

import jax, jax.numpy as jnp
import numpy as np

E = 64
A = 1
D = 1024
H = 512
B = 16
S = 8


def setup_inputs(seed: int = 0) -> dict:
    key = jax.random.key(seed)
    ks = jax.random.split(key, 6)
    x = jax.random.normal(ks[0], (B, S, D), dtype=jnp.float32)
    gate_W = jax.random.normal(ks[1], (E, D), dtype=jnp.float32) * 0.02
    gate_b = jnp.zeros((E,), dtype=jnp.float32)
    up_proj = jax.random.normal(ks[2], (E, H, D), dtype=jnp.float32) * 0.02
    gate_proj = jax.random.normal(ks[3], (E, H, D), dtype=jnp.float32) * 0.02
    down_proj = jax.random.normal(ks[4], (E, D, H), dtype=jnp.float32) * 0.02
    return {"x": x, "gate_W": gate_W, "gate_b": gate_b, "up_proj": up_proj, "gate_proj": gate_proj, "down_proj": down_proj}


def reference(x, gate_W, gate_b, up_proj, gate_proj, down_proj):
    Bs, Ss, Ds = x.shape
    xf = x.reshape(-1, Ds)                       # (T, D)
    # router gate: nn.Linear(n_in, n_experts)
    logits = xf @ gate_W.T + gate_b              # (T, E)
    probs = jax.nn.softmax(logits.astype(jnp.float32), axis=-1)
    probs, indices = jax.lax.top_k(probs, A)     # (T, A)
    # norm_probs=True
    probs = probs / jnp.sum(probs, axis=-1, keepdims=True)
    probs = probs.astype(x.dtype)
    # SwiGLUExperts: per-token gather of expert weight matrices
    w_up = up_proj[indices]                      # (T, A, H, D)
    w_gate = gate_proj[indices]                  # (T, A, H, D)
    w_down = down_proj[indices]                  # (T, A, D, H)
    x_gate = jax.nn.silu(jnp.einsum('td,tahd->tah', xf, w_gate))
    x_up = jnp.einsum('td,tahd->tah', xf, w_up)
    y = jnp.einsum('tah,tadh->tad', x_gate * x_up, w_down)  # (T, A, D)
    # faithful to original: probs are computed but not applied to y;
    # reshape only valid because n_activated_experts == 1
    return y.reshape(Bs, Ss, Ds)

if __name__ == "__main__":
    import jax
    _d = setup_inputs()
    print(jax.jit(kernel)(*tuple(_d.values())))

</pallas_src>

<mosaic_0001>
#map = affine_map<(d0, d1) -> (0)>
module attributes {stable_mosaic.version = 14 : i64} {
  func.func @hist(%arg0: i32, %arg1: i32, %arg2: memref<128xi32, #tpu.memory_space<hbm>>, %arg3: memref<64xi32, #tpu.memory_space<hbm>>, %arg4: memref<128xi32, #tpu.memory_space<vmem>>, %arg5: memref<128xi32, #tpu.memory_space<vmem>>, %arg6: memref<64xi32, #tpu.memory_space<vmem>>, %arg7: memref<64xi32, #tpu.memory_space<vmem_shared>>) attributes {dimension_semantics = [#tpu.dimension_semantics<core_parallel>, #tpu.dimension_semantics<subcore_parallel>], iteration_bounds = array<i64: 2, 16>, scalar_prefetch = 0 : i64, scratch_operands = 4 : i64, tpu.core_type = #tpu.core_type<sc_vector_subcore>, window_params = [{transform_indices = #map}, {transform_indices = #map}]} {
    %mul3A = arith.constant 16 : i32
    %mul3A_0 = arith.muli %arg0, %mul3A : i32
    %add3A = arith.addi %mul3A_0, %arg1 : i32
    %eq3A = arith.constant 0 : i32
    %eq3A_1 = arith.cmpi eq, %add3A, %eq3A : i32
    %convert_element_type3A = arith.extui %eq3A_1 : i1 to i32
    %cond3A = arith.constant 0 : i32
    %cond3A_2 = arith.cmpi ne, %convert_element_type3A, %cond3A : i32
    scf.if %cond3A_2 {
      "tpu.region"() ({
        %run_scoped3A = tpu.sem_alloc : memref<!tpu.dma_semaphore, #tpu.memory_space<semaphore_mem>>
        tpu.enqueue_dma source(%arg2 : memref<128xi32, #tpu.memory_space<hbm>>) target(%arg4 : memref<128xi32, #tpu.memory_space<vmem>>) target_semaphore(%run_scoped3A : memref<!tpu.dma_semaphore, #tpu.memory_space<semaphore_mem>>)
        tpu.wait_dma2 semaphore(%run_scoped3A : memref<!tpu.dma_semaphore, #tpu.memory_space<semaphore_mem>>) src(%arg2 : memref<128xi32, #tpu.memory_space<hbm>>) dst(%arg4 : memref<128xi32, #tpu.memory_space<vmem>>)
        tpu.yield
      }) : () -> ()
      %broadcast_in_dim3A = arith.constant 0 : i32
      %broadcast_in_dim3A_3 = vector.broadcast %broadcast_in_dim3A : i32 to vector<16xi32>
      %broadcast_in_dim3A_4 = arith.constant 1 : i32
      %broadcast_in_dim3A_5 = vector.broadcast %broadcast_in_dim3A_4 : i32 to vector<16xi32>
      %swap3A = arith.constant 0 : index
      %swap3A_6 = tpu.vector_load %arg6[%swap3A] {strides = array<i32>} : memref<64xi32, #tpu.memory_space<vmem>>, vector<16xi32>,
      %swap3A_7 = vector.shape_cast %swap3A_6 : vector<16xi32> to vector<16xi32>
      %swap3A_8 = vector.shape_cast %broadcast_in_dim3A_3 : vector<16xi32> to vector<16xi32>
      tpu.vector_store %arg6[%swap3A], %swap3A_8 {strides = array<i32>} : memref<64xi32, #tpu.memory_space<vmem>>, vector<16xi32>,
      %swap3A_9 = arith.constant 16 : index
      %swap3A_10 = tpu.vector_load %arg6[%swap3A_9] {strides = array<i32>} : memref<64xi32, #tpu.memory_space<vmem>>, vector<16xi32>,
      %swap3A_11 = vector.shape_cast %swap3A_10 : vector<16xi32> to vector<16xi32>
      %swap3A_12 = vector.shape_cast %broadcast_in_dim3A_3 : vector<16xi32> to vector<16xi32>
      tpu.vector_store %arg6[%swap3A_9], %swap3A_12 {strides = array<i32>} : memref<64xi32, #tpu.memory_space<vmem>>, vector<16xi32>,
      %swap3A_13 = arith.constant 32 : index
      %swap3A_14 = tpu.vector_load %arg6[%swap3A_13] {strides = array<i32>} : memref<64xi32, #tpu.memory_space<vmem>>, vector<16xi32>,
      %swap3A_15 = vector.shape_cast %swap3A_14 : vector<16xi32> to vector<16xi32>
      %swap3A_16 = vector.shape_cast %broadcast_in_dim3A_3 : vector<16xi32> to vector<16xi32>
      tpu.vector_store %arg6[%swap3A_13], %swap3A_16 {strides = array<i32>} : memref<64xi32, #tpu.memory_space<vmem>>, vector<16xi32>,
      %swap3A_17 = arith.constant 48 : index
      %swap3A_18 = tpu.vector_load %arg6[%swap3A_17] {strides = array<i32>} : memref<64xi32, #tpu.memory_space<vmem>>, vector<16xi32>,
      %swap3A_19 = vector.shape_cast %swap3A_18 : vector<16xi32> to vector<16xi32>
      %swap3A_20 = vector.shape_cast %broadcast_in_dim3A_3 : vector<16xi32> to vector<16xi32>
      tpu.vector_store %arg6[%swap3A_17], %swap3A_20 {strides = array<i32>} : memref<64xi32, #tpu.memory_space<vmem>>, vector<16xi32>,
      %swap3A_21 = arith.constant 0 : index
      %swap3A_22 = tpu.vector_load %arg5[%swap3A_21] {strides = array<i32>} : memref<128xi32, #tpu.memory_space<vmem>>, vector<16xi32>,
      %swap3A_23 = vector.shape_cast %swap3A_22 : vector<16xi32> to vector<16xi32>
      %swap3A_24 = vector.shape_cast %broadcast_in_dim3A_5 : vector<16xi32> to vector<16xi32>
      tpu.vector_store %arg5[%swap3A_21], %swap3A_24 {strides = array<i32>} : memref<128xi32, #tpu.memory_space<vmem>>, vector<16xi32>,
      %swap3A_25 = arith.constant 16 : index
      %swap3A_26 = tpu.vector_load %arg5[%swap3A_25] {strides = array<i32>} : memref<128xi32, #tpu.memory_space<vmem>>, vector<16xi32>,
      %swap3A_27 = vector.shape_cast %swap3A_26 : vector<16xi32> to vector<16xi32>
      %swap3A_28 = vector.shape_cast %broadcast_in_dim3A_5 : vector<16xi32> to vector<16xi32>
      tpu.vector_store %arg5[%swap3A_25], %swap3A_28 {strides = array<i32>} : memref<128xi32, #tpu.memory_space<vmem>>, vector<16xi32>,
      %swap3A_29 = arith.constant 32 : index
      %swap3A_30 = tpu.vector_load %arg5[%swap3A_29] {strides = array<i32>} : memref<128xi32, #tpu.memory_space<vmem>>, vector<16xi32>,
      %swap3A_31 = vector.shape_cast %swap3A_30 : vector<16xi32> to vector<16xi32>
      %swap3A_32 = vector.shape_cast %broadcast_in_dim3A_5 : vector<16xi32> to vector<16xi32>
      tpu.vector_store %arg5[%swap3A_29], %swap3A_32 {strides = array<i32>} : memref<128xi32, #tpu.memory_space<vmem>>, vector<16xi32>,
      %swap3A_33 = arith.constant 48 : index
      %swap3A_34 = tpu.vector_load %arg5[%swap3A_33] {strides = array<i32>} : memref<128xi32, #tpu.memory_space<vmem>>, vector<16xi32>,
      %swap3A_35 = vector.shape_cast %swap3A_34 : vector<16xi32> to vector<16xi32>
      %swap3A_36 = vector.shape_cast %broadcast_in_dim3A_5 : vector<16xi32> to vector<16xi32>
      tpu.vector_store %arg5[%swap3A_33], %swap3A_36 {strides = array<i32>} : memref<128xi32, #tpu.memory_space<vmem>>, vector<16xi32>,
      %swap3A_37 = arith.constant 64 : index
      %swap3A_38 = tpu.vector_load %arg5[%swap3A_37] {strides = array<i32>} : memref<128xi32, #tpu.memory_space<vmem>>, vector<16xi32>,
      %swap3A_39 = vector.shape_cast %swap3A_38 : vector<16xi32> to vector<16xi32>
      %swap3A_40 = vector.shape_cast %broadcast_in_dim3A_5 : vector<16xi32> to vector<16xi32>
      tpu.vector_store %arg5[%swap3A_37], %swap3A_40 {strides = array<i32>} : memref<128xi32, #tpu.memory_space<vmem>>, vector<16xi32>,
      %swap3A_41 = arith.constant 80 : index
      %swap3A_42 = tpu.vector_load %arg5[%swap3A_41] {strides = array<i32>} : memref<128xi32, #tpu.memory_space<vmem>>, vector<16xi32>,
      %swap3A_43 = vector.shape_cast %swap3A_42 : vector<16xi32> to vector<16xi32>
      %swap3A_44 = vector.shape_cast %broadcast_in_dim3A_5 : vector<16xi32> to vector<16xi32>
      tpu.vector_store %arg5[%swap3A_41], %swap3A_44 {strides = array<i32>} : memref<128xi32, #tpu.memory_space<vmem>>, vector<16xi32>,
      %swap3A_45 = arith.constant 96 : index
      %swap3A_46 = tpu.vector_load %arg5[%swap3A_45] {strides = array<i32>} : memref<128xi32, #tpu.memory_space<vmem>>, vector<16xi32>,
      %swap3A_47 = vector.shape_cast %swap3A_46 : vector<16xi32> to vector<16xi32>
      %swap3A_48 = vector.shape_cast %broadcast_in_dim3A_5 : vector<16xi32> to vector<16xi32>
      tpu.vector_store %arg5[%swap3A_45], %swap3A_48 {strides = array<i32>} : memref<128xi32, #tpu.memory_space<vmem>>, vector<16xi32>,
      %swap3A_49 = arith.constant 112 : index
      %swap3A_50 = tpu.vector_load %arg5[%swap3A_49] {strides = array<i32>} : memref<128xi32, #tpu.memory_space<vmem>>, vector<16xi32>,
      %swap3A_51 = vector.shape_cast %swap3A_50 : vector<16xi32> to vector<16xi32>
      %swap3A_52 = vector.shape_cast %broadcast_in_dim3A_5 : vector<16xi32> to vector<16xi32>
      tpu.vector_store %arg5[%swap3A_49], %swap3A_52 {strides = array<i32>} : memref<128xi32, #tpu.memory_space<vmem>>, vector<16xi32>,
      "tpu.region"() ({
        %run_scoped3A = tpu.sem_alloc : memref<!tpu.dma_semaphore, #tpu.memory_space<semaphore_mem>>
        tpu.enqueue_dma source(%arg6 : memref<64xi32, #tpu.memory_space<vmem>>) target(%arg7 : memref<64xi32, #tpu.memory_space<vmem_shared>>) target_semaphore(%run_scoped3A : memref<!tpu.dma_semaphore, #tpu.memory_space<semaphore_mem>>)
        tpu.wait_dma2 semaphore(%run_scoped3A : memref<!tpu.dma_semaphore, #tpu.memory_space<semaphore_mem>>) src(%arg6 : memref<64xi32, #tpu.memory_space<vmem>>) dst(%arg7 : memref<64xi32, #tpu.memory_space<vmem_shared>>)
        tpu.yield
      }) : () -> ()
      "tpu.region"() ({
        %run_scoped3A = tpu.sem_alloc : memref<!tpu.dma_semaphore, #tpu.memory_space<semaphore_mem>>
        %dma_start3A = arith.constant 0 : i32
        %dma_start3A_53 = tpu.memref_slice %arg7[%dma_start3A] : memref<64xi32, #tpu.memory_space<vmem_shared>> -> memref<64xi32, #tpu.memory_space<vmem_shared>>
        tpu.enqueue_indirect_dma source(%arg5 : memref<128xi32, #tpu.memory_space<vmem>>) target(%dma_start3A_53 : memref<64xi32, #tpu.memory_space<vmem_shared>>) offsets(%arg4 : memref<128xi32, #tpu.memory_space<vmem>>) semaphore(%run_scoped3A : memref<!tpu.dma_semaphore, #tpu.memory_space<semaphore_mem>>) {add = true}
        %dma_wait3A = arith.constant 0 : i32
        %dma_wait3A_54 = tpu.memref_slice %arg7[%dma_wait3A] : memref<64xi32, #tpu.memory_space<vmem_shared>> -> memref<64xi32, #tpu.memory_space<vmem_shared>>
        tpu.wait_indirect_dma semaphore(%run_scoped3A : memref<!tpu.dma_semaphore, #tpu.memory_space<semaphore_mem>>) src(%arg5 : memref<128xi32, #tpu.memory_space<vmem>>) dst(%dma_wait3A_54 : memref<64xi32, #tpu.memory_space<vmem_shared>>)
        tpu.yield
      }) : () -> ()
      "tpu.region"() ({
        %run_scoped3A = tpu.sem_alloc : memref<!tpu.dma_semaphore, #tpu.memory_space<semaphore_mem>>
        tpu.enqueue_dma source(%arg7 : memref<64xi32, #tpu.memory_space<vmem_shared>>) target(%arg3 : memref<64xi32, #tpu.memory_space<hbm>>) target_semaphore(%run_scoped3A : memref<!tpu.dma_semaphore, #tpu.memory_space<semaphore_mem>>)
        tpu.wait_dma2 semaphore(%run_scoped3A : memref<!tpu.dma_semaphore, #tpu.memory_space<semaphore_mem>>) src(%arg7 : memref<64xi32, #tpu.memory_space<vmem_shared>>) dst(%arg3 : memref<64xi32, #tpu.memory_space<hbm>>)
        tpu.yield
      }) : () -> ()
    } else {
    }
    return
  }
}

module attributes {stable_mosaic.version = 14 : i64} {
  func.func @_expert_body(%arg0: i32, %arg1: memref<64xi32, #tpu.memory_space<smem>>, %arg2: memref<1xi32, #tpu.memory_space<smem>>, %arg3: memref<128x1xi32, #tpu.memory_space<vmem>>, %arg4: memref<128x1024xf32, #tpu.memory_space<vmem>>, %arg5: memref<1x256x1024xf32, #tpu.memory_space<vmem>>, %arg6: memref<1x256x1024xf32, #tpu.memory_space<vmem>>, %arg7: memref<1x256x1024xf32, #tpu.memory_space<vmem>>, %arg8: memref<1x256x1024xf32, #tpu.memory_space<vmem>>, %arg9: memref<1x1024x256xf32, #tpu.memory_space<vmem>>, %arg10: memref<1x1024x256xf32, #tpu.memory_space<vmem>>, %arg11: memref<128x1024xf32, #tpu.memory_space<vmem>>) attributes {dimension_semantics = [#tpu.dimension_semantics<arbitrary>], iteration_bounds = array<i64: 64>, scalar_prefetch = 2 : i64, scratch_operands = 0 : i64, tpu.core_type = #tpu.core_type<tc>, window_params = [{pipeline_mode = #tpu.pipeline_mode<synchronous>, transform_indices = @transform_0, window_bounds = array<i64: 128, 1>}, {pipeline_mode = #tpu.pipeline_mode<synchronous>, transform_indices = @transform_1, window_bounds = array<i64: 128, 1024>}, {transform_indices = @transform_2, window_bounds = array<i64: 1, 256, 1024>}, {transform_indices = @transform_3, window_bounds = array<i64: 1, 256, 1024>}, {transform_indices = @transform_4, window_bounds = array<i64: 1, 256, 1024>}, {transform_indices = @transform_5, window_bounds = array<i64: 1, 256, 1024>}, {transform_indices = @transform_6, window_bounds = array<i64: 1, 1024, 256>}, {transform_indices = @transform_7, window_bounds = array<i64: 1, 1024, 256>}, {pipeline_mode = #tpu.pipeline_mode<synchronous>, transform_indices = @transform_8, window_bounds = array<i64: 128, 1024>}]} {
    %eq3A = arith.constant 0 : i32
    %eq3A_0 = arith.cmpi eq, %arg0, %eq3A : i32
    %convert_element_type3A = arith.extui %eq3A_0 : i1 to i32
    %cond3A = arith.constant 0 : i32
    %cond3A_1 = arith.cmpi ne, %convert_element_type3A, %cond3A : i32
    scf.if %cond3A_1 {
      %broadcast_in_dim3A = arith.constant 0.000000e+00 : f32
      %broadcast_in_dim3A_6 = vector.broadcast %broadcast_in_dim3A : f32 to vector<128x1024xf32>
      %swap3A = arith.constant 0 : index
      %swap3A_7 = arith.constant 0 : index
      %swap3A_8 = vector.load %arg11[%swap3A, %swap3A_7] : memref<128x1024xf32, #tpu.memory_space<vmem>>, vector<128x1024xf32>
      tpu.vector_store %arg11[%swap3A, %swap3A_7], %broadcast_in_dim3A_6 {strides = array<i32>} : memref<128x1024xf32, #tpu.memory_space<vmem>>, vector<128x1024xf32>,
    } else {
    }
    %get3A = arith.constant 0 : index
    %get3A_2 = memref.load %arg2[%get3A] : memref<1xi32, #tpu.memory_space<smem>>
    %lt3A = arith.cmpi slt, %arg0, %get3A_2 : i32
    %convert_element_type3A_3 = arith.extui %lt3A : i1 to i32
    %cond3A_4 = arith.constant 0 : i32
    %cond3A_5 = arith.cmpi ne, %convert_element_type3A_3, %cond3A_4 : i32
    scf.if %cond3A_5 {
      %get3A_6 = arith.index_cast %arg0 : i32 to index
      %get3A_7 = memref.load %arg1[%get3A_6] : memref<64xi32, #tpu.memory_space<smem>>
      %get3A_8 = arith.constant 0 : index
      %get3A_9 = arith.constant 0 : index
      %get3A_10 = vector.load %arg3[%get3A_8, %get3A_9] : memref<128x1xi32, #tpu.memory_space<vmem>>, vector<128x1xi32>
      %eq3A_11 = vector.broadcast %get3A_7 : i32 to vector<128x1xi32>
      %eq3A_12 = arith.cmpi eq, %get3A_10, %eq3A_11 : vector<128x1xi32>
      %get3A_13 = arith.constant 0 : index
      %get3A_14 = arith.constant 0 : index
      %get3A_15 = vector.load %arg4[%get3A_13, %get3A_14] : memref<128x1024xf32, #tpu.memory_space<vmem>>, vector<128x1024xf32>
      %jit3A = arith.constant 0.000000e+00 : f32
      %broadcast_in_dim3A = vector.shape_cast %eq3A_12 : vector<128x1xi1> to vector<128x1xi1>
      %broadcast_in_dim3A_16 = vector.broadcast %broadcast_in_dim3A : vector<128x1xi1> to vector<128x1024xi1>
      %broadcast_in_dim3A_17 = vector.broadcast %jit3A : f32 to vector<128x1024xf32>
      %select_n3A = arith.select %broadcast_in_dim3A_16, %get3A_15, %broadcast_in_dim3A_17 : vector<128x1024xi1>, vector<128x1024xf32>
      %broadcast_in_dim3A_18 = arith.constant 0.000000e+00 : f32
      %broadcast_in_dim3A_19 = vector.broadcast %broadcast_in_dim3A_18 : f32 to vector<128x1024xf32>
      %get3A_20 = arith.constant 0 : index
      %get3A_21 = arith.constant 0 : index
      %get3A_22 = arith.constant 0 : index
      %get3A_23 = vector.load %arg7[%get3A_20, %get3A_21, %get3A_22] : memref<1x256x1024xf32, #tpu.memory_space<vmem>>, vector<1x256x1024xf32>
      %get3A_24 = vector.shape_cast %get3A_23 : vector<1x256x1024xf32> to vector<256x1024xf32>
      %dot_general3A = arith.constant dense<0.000000e+00> : vector<128x256xf32>
      %dot_general3A_25 = tpu.matmul %select_n3A, %get3A_24, %dot_general3A {dimension_numbers = #tpu.dot_dimension_numbers<[1], [1], [0], [0], [0, 0, 1, 0], [], []>, transpose_lhs_hint = false} : vector<128x1024xf32>, vector<256x1024xf32>, vector<128x256xf32> -> vector<128x256xf32>
      %get3A_26 = arith.constant 0 : index
      %get3A_27 = arith.constant 0 : index
      %get3A_28 = arith.constant 0 : index
      %get3A_29 = vector.load %arg5[%get3A_26, %get3A_27, %get3A_28] : memref<1x256x1024xf32, #tpu.memory_space<vmem>>, vector<1x256x1024xf32>
      %get3A_30 = vector.shape_cast %get3A_29 : vector<1x256x1024xf32> to vector<256x1024xf32>
      %dot_general3A_31 = arith.constant dense<0.000000e+00> : vector<128x256xf32>
      %dot_general3A_32 = tpu.matmul %select_n3A, %get3A_30, %dot_general3A_31 {dimension_numbers = #tpu.dot_dimension_numbers<[1], [1], [0], [0], [0, 0, 1, 0], [], []>, transpose_lhs_hint = false} : vector<128x1024xf32>, vector<256x1024xf32>, vector<128x256xf32> -> vector<128x256xf32>
      %logistic3A = arith.negf %dot_general3A_25 : vector<128x256xf32>
      %logistic3A_33 = math.exp %logistic3A : vector<128x256xf32>
      %logistic3A_34 = arith.constant 1.000000e+00 : f32
      %logistic3A_35 = vector.broadcast %logistic3A_34 : f32 to vector<128x256xf32>
      %logistic3A_36 = arith.addf %logistic3A_35, %logistic3A_33 : vector<128x256xf32>
      %logistic3A_37 = arith.divf %logistic3A_35, %logistic3A_36 : vector<128x256xf32>
      %mul3A = arith.mulf %dot_general3A_25, %logistic3A_37 : vector<128x256xf32>
      %mul3A_38 = arith.mulf %mul3A, %dot_general3A_32 : vector<128x256xf32>
      %get3A_39 = arith.constant 0 : index
      %get3A_40 = arith.constant 0 : index
      %get3A_41 = arith.constant 0 : index
      %get3A_42 = vector.load %arg9[%get3A_39, %get3A_40, %get3A_41] : memref<1x1024x256xf32, #tpu.memory_space<vmem>>, vector<1x1024x256xf32>
      %get3A_43 = vector.shape_cast %get3A_42 : vector<1x1024x256xf32> to vector<1024x256xf32>
      %dot_general3A_44 = arith.constant dense<0.000000e+00> : vector<128x1024xf32>
      %dot_general3A_45 = tpu.matmul %mul3A_38, %get3A_43, %dot_general3A_44 {dimension_numbers = #tpu.dot_dimension_numbers<[1], [1], [0], [0], [0, 0, 1, 0], [], []>, transpose_lhs_hint = false} : vector<128x256xf32>, vector<1024x256xf32>, vector<128x1024xf32> -> vector<128x1024xf32>
      %add3A = arith.addf %broadcast_in_dim3A_19, %dot_general3A_45 : vector<128x1024xf32>
      %get3A_46 = arith.constant 0 : index
      %get3A_47 = arith.constant 0 : index
      %get3A_48 = arith.constant 0 : index
      %get3A_49 = vector.load %arg8[%get3A_46, %get3A_47, %get3A_48] : memref<1x256x1024xf32, #tpu.memory_space<vmem>>, vector<1x256x1024xf32>
      %get3A_50 = vector.shape_cast %get3A_49 : vector<1x256x1024xf32> to vector<256x1024xf32>
      %dot_general3A_51 = arith.constant dense<0.000000e+00> : vector<128x256xf32>
      %dot_general3A_52 = tpu.matmul %select_n3A, %get3A_50, %dot_general3A_51 {dimension_numbers = #tpu.dot_dimension_numbers<[1], [1], [0], [0], [0, 0, 1, 0], [], []>, transpose_lhs_hint = false} : vector<128x1024xf32>, vector<256x1024xf32>, vector<128x256xf32> -> vector<128x256xf32>
      %get3A_53 = arith.constant 0 : index
      %get3A_54 = arith.constant 0 : index
      %get3A_55 = arith.constant 0 : index
      %get3A_56 = vector.load %arg6[%get3A_53, %get3A_54, %get3A_55] : memref<1x256x1024xf32, #tpu.memory_space<vmem>>, vector<1x256x1024xf32>
      %get3A_57 = vector.shape_cast %get3A_56 : vector<1x256x1024xf32> to vector<256x1024xf32>
      %dot_general3A_58 = arith.constant dense<0.000000e+00> : vector<128x256xf32>
      %dot_general3A_59 = tpu.matmul %select_n3A, %get3A_57, %dot_general3A_58 {dimension_numbers = #tpu.dot_dimension_numbers<[1], [1], [0], [0], [0, 0, 1, 0], [], []>, transpose_lhs_hint = false} : vector<128x1024xf32>, vector<256x1024xf32>, vector<128x256xf32> -> vector<128x256xf32>
      %logistic3A_60 = arith.negf %dot_general3A_52 : vector<128x256xf32>
      %logistic3A_61 = math.exp %logistic3A_60 : vector<128x256xf32>
      %logistic3A_62 = arith.constant 1.000000e+00 : f32
      %logistic3A_63 = vector.broadcast %logistic3A_62 : f32 to vector<128x256xf32>
      %logistic3A_64 = arith.addf %logistic3A_63, %logistic3A_61 : vector<128x256xf32>
      %logistic3A_65 = arith.divf %logistic3A_63, %logistic3A_64 : vector<128x256xf32>
      %mul3A_66 = arith.mulf %dot_general3A_52, %logistic3A_65 : vector<128x256xf32>
      %mul3A_67 = arith.mulf %mul3A_66, %dot_general3A_59 : vector<128x256xf32>
      %get3A_68 = arith.constant 0 : index
      %get3A_69 = arith.constant 0 : index
      %get3A_70 = arith.constant 0 : index
      %get3A_71 = vector.load %arg10[%get3A_68, %get3A_69, %get3A_70] : memref<1x1024x256xf32, #tpu.memory_space<vmem>>, vector<1x1024x256xf32>
      %get3A_72 = vector.shape_cast %get3A_71 : vector<1x1024x256xf32> to vector<1024x256xf32>
      %dot_general3A_73 = arith.constant dense<0.000000e+00> : vector<128x1024xf32>
      %dot_general3A_74 = tpu.matmul %mul3A_67, %get3A_72, %dot_general3A_73 {dimension_numbers = #tpu.dot_dimension_numbers<[1], [1], [0], [0], [0, 0, 1, 0], [], []>, transpose_lhs_hint = false} : vector<128x256xf32>, vector<1024x256xf32>, vector<128x1024xf32> -> vector<128x1024xf32>
      %add3A_75 = arith.addf %add3A, %dot_general3A_74 : vector<128x1024xf32>
      %get3A_76 = arith.constant 0 : index
      %get3A_77 = arith.constant 0 : index
      %get3A_78 = vector.load %arg11[%get3A_76, %get3A_77] : memref<128x1024xf32, #tpu.memory_space<vmem>>, vector<128x1024xf32>
      %add3A_79 = arith.addf %get3A_78, %add3A_75 : vector<128x1024xf32>
      %swap3A = arith.constant 0 : index
      %swap3A_80 = arith.constant 0 : index
      %swap3A_81 = vector.load %arg11[%swap3A, %swap3A_80] : memref<128x1024xf32, #tpu.memory_space<vmem>>, vector<128x1024xf32>
      tpu.vector_store %arg11[%swap3A, %swap3A_80], %add3A_79 {strides = array<i32>} : memref<128x1024xf32, #tpu.memory_space<vmem>>, vector<128x1024xf32>,
    } else {
    }
    return
  }
  func.func @transform_0(%arg0: i32, %arg1: memref<64xi32, #tpu.memory_space<smem>>, %arg2: memref<1xi32, #tpu.memory_space<smem>>) -> (i32, i32) {
    %c0_i32 = arith.constant 0 : i32
    %c0_i32_0 = arith.constant 0 : i32
    %c0_i32_1 = arith.constant 0 : i32
    return %c0_i32, %c0_i32_0 : i32, i32
  }
  func.func @transform_1(%arg0: i32, %arg1: memref<64xi32, #tpu.memory_space<smem>>, %arg2: memref<1xi32, #tpu.memory_space<smem>>) -> (i32, i32) {
    %c0_i32 = arith.constant 0 : i32
    %c0_i32_0 = arith.constant 0 : i32
    %c0_i32_1 = arith.constant 0 : i32
    return %c0_i32, %c0_i32_0 : i32, i32
  }
  func.func @transform_2(%arg0: i32, %arg1: memref<64xi32, #tpu.memory_space<smem>>, %arg2: memref<1xi32, #tpu.memory_space<smem>>) -> (i32, i32, i32) {
    %get3A = arith.index_cast %arg0 : i32 to index
    %get3A_0 = memref.load %arg1[%get3A] : memref<64xi32, #tpu.memory_space<smem>>
    %c0_i32 = arith.constant 0 : i32
    %c0_i32_1 = arith.constant 0 : i32
    %c0_i32_2 = arith.constant 0 : i32
    return %get3A_0, %c0_i32, %c0_i32_1 : i32, i32, i32
  }
  func.func @transform_3(%arg0: i32, %arg1: memref<64xi32, #tpu.memory_space<smem>>, %arg2: memref<1xi32, #tpu.memory_space<smem>>) -> (i32, i32, i32) {
    %get3A = arith.index_cast %arg0 : i32 to index
    %get3A_0 = memref.load %arg1[%get3A] : memref<64xi32, #tpu.memory_space<smem>>
    %c1_i32 = arith.constant 1 : i32
    %c0_i32 = arith.constant 0 : i32
    %c0_i32_1 = arith.constant 0 : i32
    return %get3A_0, %c1_i32, %c0_i32 : i32, i32, i32
  }
  func.func @transform_4(%arg0: i32, %arg1: memref<64xi32, #tpu.memory_space<smem>>, %arg2: memref<1xi32, #tpu.memory_space<smem>>) -> (i32, i32, i32) {
    %get3A = arith.index_cast %arg0 : i32 to index
    %get3A_0 = memref.load %arg1[%get3A] : memref<64xi32, #tpu.memory_space<smem>>
    %c0_i32 = arith.constant 0 : i32
    %c0_i32_1 = arith.constant 0 : i32
    %c0_i32_2 = arith.constant 0 : i32
    return %get3A_0, %c0_i32, %c0_i32_1 : i32, i32, i32
  }
  func.func @transform_5(%arg0: i32, %arg1: memref<64xi32, #tpu.memory_space<smem>>, %arg2: memref<1xi32, #tpu.memory_space<smem>>) -> (i32, i32, i32) {
    %get3A = arith.index_cast %arg0 : i32 to index
    %get3A_0 = memref.load %arg1[%get3A] : memref<64xi32, #tpu.memory_space<smem>>
    %c1_i32 = arith.constant 1 : i32
    %c0_i32 = arith.constant 0 : i32
    %c0_i32_1 = arith.constant 0 : i32
    return %get3A_0, %c1_i32, %c0_i32 : i32, i32, i32
  }
  func.func @transform_6(%arg0: i32, %arg1: memref<64xi32, #tpu.memory_space<smem>>, %arg2: memref<1xi32, #tpu.memory_space<smem>>) -> (i32, i32, i32) {
    %get3A = arith.index_cast %arg0 : i32 to index
    %get3A_0 = memref.load %arg1[%get3A] : memref<64xi32, #tpu.memory_space<smem>>
    %c0_i32 = arith.constant 0 : i32
    %c0_i32_1 = arith.constant 0 : i32
    %c0_i32_2 = arith.constant 0 : i32
    return %get3A_0, %c0_i32, %c0_i32_1 : i32, i32, i32
  }
  func.func @transform_7(%arg0: i32, %arg1: memref<64xi32, #tpu.memory_space<smem>>, %arg2: memref<1xi32, #tpu.memory_space<smem>>) -> (i32, i32, i32) {
    %get3A = arith.index_cast %arg0 : i32 to index
    %get3A_0 = memref.load %arg1[%get3A] : memref<64xi32, #tpu.memory_space<smem>>
    %c0_i32 = arith.constant 0 : i32
    %c1_i32 = arith.constant 1 : i32
    %c0_i32_1 = arith.constant 0 : i32
    return %get3A_0, %c0_i32, %c1_i32 : i32, i32, i32
  }
  func.func @transform_8(%arg0: i32, %arg1: memref<64xi32, #tpu.memory_space<smem>>, %arg2: memref<1xi32, #tpu.memory_space<smem>>) -> (i32, i32) {
    %c0_i32 = arith.constant 0 : i32
    %c0_i32_0 = arith.constant 0 : i32
    %c0_i32_1 = arith.constant 0 : i32
    return %c0_i32, %c0_i32_0 : i32, i32
  }
}

module attributes {stable_mosaic.version = 14 : i64} {
  func.func @_dispatch_body(%arg0: i32, %arg1: memref<1x64xi32, #tpu.memory_space<vmem>>, %arg2: memref<64x1xi32, #tpu.memory_space<vmem>>, %arg3: memref<1x1xi32, #tpu.memory_space<vmem>>) attributes {dimension_semantics = [#tpu.dimension_semantics<arbitrary>], iteration_bounds = array<i64: 1>, scalar_prefetch = 0 : i64, scratch_operands = 0 : i64, tpu.core_type = #tpu.core_type<tc>, window_params = [{pipeline_mode = #tpu.pipeline_mode<synchronous>, transform_indices = @transform_0, window_bounds = array<i64: 1, 64>}, {pipeline_mode = #tpu.pipeline_mode<synchronous>, transform_indices = @transform_1, window_bounds = array<i64: 64, 1>}, {pipeline_mode = #tpu.pipeline_mode<synchronous>, transform_indices = @transform_2, window_bounds = array<i64: 1, 1>}]} {
    %get3A = arith.constant 0 : index
    %get3A_0 = arith.constant 0 : index
    %get3A_1 = vector.load %arg1[%get3A, %get3A_0] : memref<1x64xi32, #tpu.memory_space<vmem>>, vector<1x64xi32>
    %gt3A = arith.constant 0 : i32
    %gt3A_2 = vector.broadcast %gt3A : i32 to vector<1x64xi32>
    %gt3A_3 = arith.cmpi sgt, %get3A_1, %gt3A_2 : vector<1x64xi32>
    %iota3A = tpu.iota {dimensions = array<i32: 1>} : vector<1x64xi32>
    %convert_element_type3A = arith.extui %gt3A_3 : vector<1x64xi1> to vector<1x64xi32>
    %convert_element_type3A_4 = arith.sitofp %convert_element_type3A : vector<1x64xi32> to vector<1x64xf32>
    %iota3A_5 = tpu.iota {dimensions = array<i32: 0>} : vector<64x64xi32>
    %iota3A_6 = tpu.iota {dimensions = array<i32: 1>} : vector<64x64xi32>
    %lt3A = arith.cmpi slt, %iota3A_5, %iota3A_6 : vector<64x64xi32>
    %convert_element_type3A_7 = arith.extui %lt3A : vector<64x64xi1> to vector<64x64xi32>
    %convert_element_type3A_8 = arith.sitofp %convert_element_type3A_7 : vector<64x64xi32> to vector<64x64xf32>
    %dot_general3A = arith.constant dense<0.000000e+00> : vector<1x64xf32>
    %dot_general3A_9 = tpu.matmul %convert_element_type3A_4, %convert_element_type3A_8, %dot_general3A {dimension_numbers = #tpu.dot_dimension_numbers<[1], [0], [0], [1], [0, 0, 1, 1], [], []>, transpose_lhs_hint = false} : vector<1x64xf32>, vector<64x64xf32>, vector<1x64xf32> -> vector<1x64xf32>
    %convert_element_type3A_10 = arith.fptosi %dot_general3A_9 : vector<1x64xf32> to vector<1x64xi32>
    %convert_element_type3A_11 = arith.extui %gt3A_3 : vector<1x64xi1> to vector<1x64xi32>
    %reduce_sum3A = arith.constant dense<0> : vector<1xi32>
    %reduce_sum3A_12 = vector.multi_reduction <add>, %convert_element_type3A_11, %reduce_sum3A [1] : vector<1x64xi32> to vector<1xi32>
    %broadcast_in_dim3A = vector.shape_cast %reduce_sum3A_12 : vector<1xi32> to vector<1x1xi32>
    %swap3A = arith.constant 0 : index
    %swap3A_13 = arith.constant 0 : index
    %swap3A_14 = vector.load %arg3[%swap3A, %swap3A_13] : memref<1x1xi32, #tpu.memory_space<vmem>>, vector<1x1xi32>
    tpu.vector_store %arg3[%swap3A, %swap3A_13], %broadcast_in_dim3A {strides = array<i32>} : memref<1x1xi32, #tpu.memory_space<vmem>>, vector<1x1xi32>,
    %broadcast_in_dim3A_15 = vector.shape_cast %convert_element_type3A_10 : vector<1x64xi32> to vector<1x64xi32>
    %broadcast_in_dim3A_16 = vector.broadcast %broadcast_in_dim3A_15 : vector<1x64xi32> to vector<64x64xi32>
    %broadcast_in_dim3A_17 = vector.shape_cast %gt3A_3 : vector<1x64xi1> to vector<1x64xi1>
    %broadcast_in_dim3A_18 = vector.broadcast %broadcast_in_dim3A_17 : vector<1x64xi1> to vector<64x64xi1>
    %eq3A = arith.cmpi eq, %broadcast_in_dim3A_16, %iota3A_5 : vector<64x64xi32>
    %and3A = arith.andi %eq3A, %broadcast_in_dim3A_18 : vector<64x64xi1>
    %jit3A = arith.constant 64 : i32
    %broadcast_in_dim3A_19 = vector.broadcast %jit3A : i32 to vector<64x64xi32>
    %select_n3A = arith.select %and3A, %iota3A_6, %broadcast_in_dim3A_19 : vector<64x64xi1>, vector<64x64xi32>
    %reduce_min3A = arith.constant dense<2147483647> : vector<64xi32>
    %reduce_min3A_20 = vector.multi_reduction <minsi>, %select_n3A, %reduce_min3A [1] : vector<64x64xi32> to vector<64xi32>
    %broadcast_in_dim3A_21 = vector.shape_cast %reduce_min3A_20 : vector<64xi32> to vector<64x1xi32>
    %jit3A_22 = arith.constant -1 : i32
    %broadcast_in_dim3A_23 = vector.broadcast %jit3A_22 : i32 to vector<1x64xi32>
    %select_n3A_24 = arith.select %gt3A_3, %iota3A, %broadcast_in_dim3A_23 : vector<1x64xi1>, vector<1x64xi32>
    %reduce_max3A = vector.shape_cast %select_n3A_24 : vector<1x64xi32> to vector<1x1x64xi32>
    %reduce_max3A_25 = arith.constant dense<-2147483648> : vector<1xi32>
    %reduce_max3A_26 = vector.multi_reduction <maxsi>, %reduce_max3A, %reduce_max3A_25 [1, 2] : vector<1x1x64xi32> to vector<1xi32>
    %reduce_max3A_27 = vector.shape_cast %reduce_max3A_26 : vector<1xi32> to vector<1x1x1xi32>
    %reduce_max3A_28 = vector.extract %reduce_max3A_27[0, 0, 0] : i32 from vector<1x1x1xi32>
    %eq3A_29 = arith.constant 64 : i32
    %eq3A_30 = vector.broadcast %eq3A_29 : i32 to vector<64x1xi32>
    %eq3A_31 = arith.cmpi eq, %broadcast_in_dim3A_21, %eq3A_30 : vector<64x1xi32>
    %broadcast_in_dim3A_32 = vector.broadcast %reduce_max3A_28 : i32 to vector<64x1xi32>
    %select_n3A_33 = arith.select %eq3A_31, %broadcast_in_dim3A_32, %broadcast_in_dim3A_21 : vector<64x1xi1>, vector<64x1xi32>
    %swap3A_34 = arith.constant 0 : index
    %swap3A_35 = arith.constant 0 : index
    %swap3A_36 = vector.load %arg2[%swap3A_34, %swap3A_35] : memref<64x1xi32, #tpu.memory_space<vmem>>, vector<64x1xi32>
    tpu.vector_store %arg2[%swap3A_34, %swap3A_35], %select_n3A_33 {strides = array<i32>} : memref<64x1xi32, #tpu.memory_space<vmem>>, vector<64x1xi32>,
    return
  }
  func.func @transform_0(%arg0: i32) -> (i32, i32) {
    %c0_i32 = arith.constant 0 : i32
    %c0_i32_0 = arith.constant 0 : i32
    %c0_i32_1 = arith.constant 0 : i32
    return %c0_i32, %c0_i32_0 : i32, i32
  }
  func.func @transform_1(%arg0: i32) -> (i32, i32) {
    %c0_i32 = arith.constant 0 : i32
    %c0_i32_0 = arith.constant 0 : i32
    %c0_i32_1 = arith.constant 0 : i32
    return %c0_i32, %c0_i32_0 : i32, i32
  }
  func.func @transform_2(%arg0: i32) -> (i32, i32) {
    %c0_i32 = arith.constant 0 : i32
    %c0_i32_0 = arith.constant 0 : i32
    %c0_i32_1 = arith.constant 0 : i32
    return %c0_i32, %c0_i32_0 : i32, i32
  }
}

module attributes {stable_mosaic.version = 14 : i64} {
  func.func @_router_body(%arg0: i32, %arg1: memref<128x1024xf32, #tpu.memory_space<vmem>>, %arg2: memref<64x1024xf32, #tpu.memory_space<vmem>>, %arg3: memref<1x64xf32, #tpu.memory_space<vmem>>, %arg4: memref<128x1xi32, #tpu.memory_space<vmem>>) attributes {dimension_semantics = [#tpu.dimension_semantics<arbitrary>], iteration_bounds = array<i64: 1>, scalar_prefetch = 0 : i64, scratch_operands = 0 : i64, tpu.core_type = #tpu.core_type<tc>, window_params = [{pipeline_mode = #tpu.pipeline_mode<synchronous>, transform_indices = @transform_0, window_bounds = array<i64: 128, 1024>}, {pipeline_mode = #tpu.pipeline_mode<synchronous>, transform_indices = @transform_1, window_bounds = array<i64: 64, 1024>}, {pipeline_mode = #tpu.pipeline_mode<synchronous>, transform_indices = @transform_2, window_bounds = array<i64: 1, 64>}, {pipeline_mode = #tpu.pipeline_mode<synchronous>, transform_indices = @transform_3, window_bounds = array<i64: 128, 1>}]} {
    %get3A = arith.constant 0 : index
    %get3A_0 = arith.constant 0 : index
    %get3A_1 = vector.load %arg1[%get3A, %get3A_0] : memref<128x1024xf32, #tpu.memory_space<vmem>>, vector<128x1024xf32>
    %get3A_2 = arith.constant 0 : index
    %get3A_3 = arith.constant 0 : index
    %get3A_4 = vector.load %arg2[%get3A_2, %get3A_3] : memref<64x1024xf32, #tpu.memory_space<vmem>>, vector<64x1024xf32>
    %dot_general3A = arith.constant dense<0.000000e+00> : vector<128x64xf32>
    %dot_general3A_5 = tpu.matmul %get3A_1, %get3A_4, %dot_general3A {dimension_numbers = #tpu.dot_dimension_numbers<[1], [1], [0], [0], [0, 0, 1, 0], [], []>, transpose_lhs_hint = false} : vector<128x1024xf32>, vector<64x1024xf32>, vector<128x64xf32> -> vector<128x64xf32>
    %get3A_6 = arith.constant 0 : index
    %get3A_7 = arith.constant 0 : index
    %get3A_8 = vector.load %arg3[%get3A_6, %get3A_7] : memref<1x64xf32, #tpu.memory_space<vmem>>, vector<1x64xf32>
    %add3A = vector.broadcast %get3A_8 : vector<1x64xf32> to vector<128x64xf32>
    %add3A_9 = arith.addf %dot_general3A_5, %add3A : vector<128x64xf32>
    %reduce_max3A = arith.constant dense<0xFF800000> : vector<128xf32>
    %reduce_max3A_10 = vector.multi_reduction <maximumf>, %add3A_9, %reduce_max3A [1] : vector<128x64xf32> to vector<128xf32>
    %broadcast_in_dim3A = vector.shape_cast %reduce_max3A_10 : vector<128xf32> to vector<128x1xf32>
    %sub3A = vector.broadcast %broadcast_in_dim3A : vector<128x1xf32> to vector<128x64xf32>
    %sub3A_11 = arith.subf %add3A_9, %sub3A : vector<128x64xf32>
    %exp3A = math.exp %sub3A_11 : vector<128x64xf32>
    %reduce_sum3A = arith.constant dense<0.000000e+00> : vector<128xf32>
    %reduce_sum3A_12 = vector.multi_reduction <add>, %exp3A, %reduce_sum3A [1] : vector<128x64xf32> to vector<128xf32>
    %broadcast_in_dim3A_13 = vector.shape_cast %reduce_sum3A_12 : vector<128xf32> to vector<128x1xf32>
    %div3A = vector.broadcast %broadcast_in_dim3A_13 : vector<128x1xf32> to vector<128x64xf32>
    %div3A_14 = arith.divf %exp3A, %div3A : vector<128x64xf32>
    %reduce_max3A_15 = arith.constant dense<0xFF800000> : vector<128xf32>
    %reduce_max3A_16 = vector.multi_reduction <maximumf>, %div3A_14, %reduce_max3A_15 [1] : vector<128x64xf32> to vector<128xf32>
    %broadcast_in_dim3A_17 = vector.shape_cast %reduce_max3A_16 : vector<128xf32> to vector<128x1xf32>
    %iota3A = tpu.iota {dimensions = array<i32: 1>} : vector<128x64xi32>
    %ge3A = vector.broadcast %broadcast_in_dim3A_17 : vector<128x1xf32> to vector<128x64xf32>
    %ge3A_18 = arith.cmpf oge, %div3A_14, %ge3A : vector<128x64xf32>
    %jit3A = arith.constant 64 : i32
    %broadcast_in_dim3A_19 = vector.broadcast %jit3A : i32 to vector<128x64xi32>
    %select_n3A = arith.select %ge3A_18, %iota3A, %broadcast_in_dim3A_19 : vector<128x64xi1>, vector<128x64xi32>
    %reduce_min3A = arith.constant dense<2147483647> : vector<128xi32>
    %reduce_min3A_20 = vector.multi_reduction <minsi>, %select_n3A, %reduce_min3A [1] : vector<128x64xi32> to vector<128xi32>
    %broadcast_in_dim3A_21 = vector.shape_cast %reduce_min3A_20 : vector<128xi32> to vector<128x1xi32>
    %swap3A = arith.constant 0 : index
    %swap3A_22 = arith.constant 0 : index
    %swap3A_23 = vector.load %arg4[%swap3A, %swap3A_22] : memref<128x1xi32, #tpu.memory_space<vmem>>, vector<128x1xi32>
    tpu.vector_store %arg4[%swap3A, %swap3A_22], %broadcast_in_dim3A_21 {strides = array<i32>} : memref<128x1xi32, #tpu.memory_space<vmem>>, vector<128x1xi32>,
    return
  }
  func.func @transform_0(%arg0: i32) -> (i32, i32) {
    %c0_i32 = arith.constant 0 : i32
    %c0_i32_0 = arith.constant 0 : i32
    %c0_i32_1 = arith.constant 0 : i32
    return %c0_i32, %c0_i32_0 : i32, i32
  }
  func.func @transform_1(%arg0: i32) -> (i32, i32) {
    %c0_i32 = arith.constant 0 : i32
    %c0_i32_0 = arith.constant 0 : i32
    %c0_i32_1 = arith.constant 0 : i32
    return %c0_i32, %c0_i32_0 : i32, i32
  }
  func.func @transform_2(%arg0: i32) -> (i32, i32) {
    %c0_i32 = arith.constant 0 : i32
    %c0_i32_0 = arith.constant 0 : i32
    %c0_i32_1 = arith.constant 0 : i32
    return %c0_i32, %c0_i32_0 : i32, i32
  }
  func.func @transform_3(%arg0: i32) -> (i32, i32) {
    %c0_i32 = arith.constant 0 : i32
    %c0_i32_0 = arith.constant 0 : i32
    %c0_i32_1 = arith.constant 0 : i32
    return %c0_i32, %c0_i32_0 : i32, i32
  }
}

</mosaic_0001>

<sc_bundles>
// kernel: kernel.6.cloned.1.call-start
scs
__scs_entry_jumppad:
0x0: {  	(pc) =	sbr.rel $0x88, $3  }
0x1: {  	(tag) =	ssettag $0x0;
	lr =	simm.s32 $0x1  }
0x2: {  	[smem:$0x3F9B] =	sst lr;
	_ =	strace $0xD0000000  }
0x3: {  	_ = 	snop  }
0x4: {  	_ = 	snop  }
0x5: {  	_ = 	snop  }
0x6: {  	_ = 	snop  }
0x7: {  	_ = 	snop  }
__scs_overlays_trampoline_lowered:
0x8: {  	[smem:$0x3FAA] =	sst s0  }
0x9: {  	[smem:$0x3FAB] =	sst s1  }
0xa: {  	[smem:$0x3FAC] =	sst s2  }
0xb: {  	[smem:$0x3FAD] =	sst s3  }
0xc: {  	[smem:$0x3FAE] =	sst s4  }
0xd: {  	[smem:$0x3FAF] =	sst s5  }
0xe: {  	[smem:$0x3FB0] =	sst s6  }
0xf: {  	[smem:$0x3FB1] =	sst s7  }
0x10: {  	[smem:$0x3FB2] =	sst s8  }
0x11: {  	[smem:$0x3FB3] =	sst s9;
	s0 =	simm.s32 @!p0 $0x0  }
0x12: {  	s1 =	sld [smem:$0x3F99];
	s0 =	simm.s32 @p0 $0x1  }
0x13: {  	[smem:$0x3FB4] =	sst s0;
	s0 =	simm.s32 @!p1 $0x0  }
0x14: {  	s2 =	sld [smem:$0x3F98];
	s0 =	simm.s32 @p1 $0x1  }
0x15: {  	[smem:$0x3FB5] =	sst s0;
	s0 =	simm.s32 @!p2 $0x0  }
0x16: {  	s3 =	sld [smem:$0x3FDB];
	s0 =	simm.s32 @p2 $0x1  }
0x17: {  	s4 =	simm.s32 $0x1BF5;
	[smem:$0x3FB7] =	sst s0  }
0x18: {  	s0 =	sld [smem:$0x3F9A];
	_ =	swait.ge [sflag:s4], $0x0  }
0x19: {  	s7 =	sld [smem:$0x3F9B]  }
0x1a: {  	s8 =	sadd.s32 $0xFFFFE003, lr  }
0x1b: {  	s9 =	sadd.s32 $0xFFFFFEF7, lr;
	s5 =	simm.s32 $0xFFFFFFFF;
	p2 =	slt.u32 s8, $0xFFFFF086  }
0x1c: {  	p1 =	slt.u32 s9, $0xF7A;
	s5 =	simm.s32 @!p2 $0x0  }
0x1d: {  	s5 =	simm.s32 @p1 $0x1;
	p0 =	seq.s32 s7, s2  }
0x1e: {  	s7 =	smul.u32 @!p0 $0xF7A, s2;
	p2 =	seq.s32 @!p0 s5, $0x0  }
0x1f: {  	s9 =	smul.u32 $0xF7A, s1;
	s8 =	simm.s32 @!p0 $0x1BF5;
	p2 =	por !p2, p0  }
0x20: {  	[sflag:s8] =	ssyncset.s32 @!p0 $0xFFFFF086;
	s6 =	sadd.s32 @!p0 s3, s7;
	s7 =	simm.s32 @!p0 $0x108  }
0x21: {  	s3 =	sadd.s32 s3, s9;
	s6 =	sadd.s32 @!p0 $0x88, s6;
	s7 =	simm.s32 @p2 $0x1082  }
0x22: {  	[simem:s7], [sflag:s8] =	dma.local @!p0 [hbm:s6], $0xF7A  }
0x23: {  	s9 =	sor.u32 $0xD0000000, s2;
	s6 =	simm.s32 $0x108;
	_ =	swait.ge @!p0 [sflag:s8], $0x0  }
0x24: {  	s3 =	sadd.s32 $0x88, s3;
	s6 =	simm.s32 @!p1 $0x1082;
	[sflag:s4] =	ssyncset.s32 $0xFFFFF086  }
0x25: {  	[simem:s6], [sflag:s4] =	dma.local [hbm:s3], $0xF7A  }
0x26: {  	[smem:$0x3F9B] =	sst s1;
	(tag) =	ssettag s2;
	_ =	strace s9  }
0x27: {  	s1 =	sld [smem:$0x3FAB]  }
0x28: {  	s2 =	sld [smem:$0x3FAC]  }
0x29: {  	s4 =	sld [smem:$0x3FAE]  }
0x2a: {  	p0 =	seq.s32 s5, $0x0;
	s5 =	sld [smem:$0x3FAF]  }
0x2b: {  	s6 =	sld [smem:$0x3FB0]  }
0x2c: {  	s7 =	sld [smem:$0x3FB1]  }
0x2d: {  	s3 =	simm.s32 $0x108;
	s8 =	sld [smem:$0x3FB2]  }
0x2e: {  	s3 =	simm.s32 @!p0 $0x1082;
	s9 =	sld [smem:$0x3FB3]  }
0x2f: {  	lr =	sadd.s32 s0, s3;
	s0 =	sld [smem:$0x3FAA]  }
0x30: {  	s3 =	sld [smem:$0x3FAD]  }
0x31: {  	[smem:$0x3FB6] =	sst s10  }
0x32: {  	s10 =	sld [smem:$0x3FB4];
	_ =	sdelay $0x3  }
0x33: {  	p0 =	seq.s32 s10, $0x1;
	s10 =	sld [smem:$0x3FB6];
	_ =	sdelay $0x3  }
0x34: {  	[smem:$0x3FB6] =	sst s10  }
0x35: {  	s10 =	sld [smem:$0x3FB5];
	_ =	sdelay $0x3  }
0x36: {  	p1 =	seq.s32 s10, $0x1;
	s10 =	sld [smem:$0x3FB6];
	_ =	sdelay $0x3  }
0x37: {  	[smem:$0x3FB6] =	sst s10  }
0x38: {  	s10 =	sld [smem:$0x3FB7]  }
0x39: {  	_ = 	snop;
	(pc) =	sbr.ind lr, $3  }
0x3a: {  	_ = 	snop  }
0x3b: {  	_ = 	snop  }
0x3c: {  	p2 =	seq.s32 s10, $0x1;
	s10 =	sld [smem:$0x3FB6]  }
0x3d: {  	_ =	shalt  }
0x3e: {  	_ =	shalt  }
0x3f: {  	_ =	shalt  }
0x40: {  	_ =	shalt  }
0x41: {  	_ =	shalt  }
0x42: {  	_ =	shalt  }
0x43: {  	_ =	shalt  }
0x44: {  	_ =	shalt  }
0x45: {  	_ =	shalt  }
0x46: {  	_ =	shalt  }
0x47: {  	_ =	shalt  }
0x48: {  	_ =	shalt  }
0x49: {  	_ =	shalt  }
0x4a: {  	_ =	shalt  }
0x4b: {  	_ =	shalt  }
0x4c: {  	_ =	shalt  }
0x4d: {  	_ =	shalt  }
0x4e: {  	_ =	shalt  }
0x4f: {  	_ =	shalt  }
0x50: {  	_ =	shalt  }
0x51: {  	_ =	shalt  }
0x52: {  	_ =	shalt  }
0x53: {  	_ =	shalt  }
0x54: {  	_ =	shalt  }
0x55: {  	_ =	shalt  }
0x56: {  	_ =	shalt  }
0x57: {  	_ =	shalt  }
0x58: {  	_ =	shalt  }
0x59: {  	_ =	shalt  }
0x5a: {  	_ =	shalt  }
0x5b: {  	_ =	shalt  }
0x5c: {  	_ =	shalt  }
0x5d: {  	_ =	shalt  }
0x5e: {  	_ =	shalt  }
0x5f: {  	_ =	shalt  }
0x60: {  	_ =	shalt  }
0x61: {  	_ =	shalt  }
0x62: {  	_ =	shalt  }
0x63: {  	_ =	shalt  }
0x64: {  	_ =	shalt  }
0x65: {  	_ =	shalt  }
0x66: {  	_ =	shalt  }
0x67: {  	_ =	shalt  }
0x68: {  	_ =	shalt  }
0x69: {  	_ =	shalt  }
0x6a: {  	_ =	shalt  }
0x6b: {  	_ =	shalt  }
0x6c: {  	_ =	shalt  }
0x6d: {  	_ =	shalt  }
0x6e: {  	_ =	shalt  }
0x6f: {  	_ =	shalt  }
0x70: {  	_ =	shalt  }
0x71: {  	_ =	shalt  }
0x72: {  	_ =	shalt  }
0x73: {  	_ =	shalt  }
0x74: {  	_ =	shalt  }
0x75: {  	_ =	shalt  }
0x76: {  	_ =	shalt  }
0x77: {  	_ =	shalt  }
0x78: {  	_ =	shalt  }
0x79: {  	_ =	shalt  }
0x7a: {  	_ =	shalt  }
0x7b: {  	_ =	shalt  }
0x7c: {  	_ =	shalt  }
0x7d: {  	_ =	shalt  }
0x7e: {  	_ =	shalt  }
0x7f: {  	_ =	shalt  }
0x80: {  	_ =	shalt  }
0x81: {  	_ =	shalt  }
0x82: {  	_ =	shalt  }
0x83: {  	_ =	shalt  }
0x84: {  	_ =	shalt  }
0x85: {  	_ =	shalt  }
0x86: {  	_ =	shalt  }
0x87: {  	_ =	shalt  }
.Lfunc_end0:
.L_simem_size_0:
called_computation_lowered:
.L_overlay_start_0:
0x88: {  	s2 =	sld [smem:$0x3FD9]  }
0x89: {  	s3 =	sld [smem:$0x3FFE];
	_ =	sdelay $0x1  }
0x8a: {  	s1 =	srdreg.scid  }
0x8b: {  	s0 =	sand.u32 $0x1, s1  }
0x8c: {  	s17 =	sshll.u32 s0, $0xA;
	s2 =	sadd.s32 s3, s2  }
0x8d: {  	s2 =	sadd.s32 s2, s17  }
0x8e: {  	[smem:$0x3FC2] =	sst s2  }
0x8f: {  	_ = 	snop  }
0x90: {  	s2 =	sld [smem:$0x3FD0];
	(tm) =	ssettm $0x1  }
0x91: {  	s18 =	sld [smem:$0x3FFB];
	_ =	sdelay $0x3  }
0x92: {  	_ =	strace s18  }
0x93: {  	s3 =	sld [smem:$0x3FFC];
	_ =	sdelay $0x3  }
0x94: {  	_ =	strace s3  }
0x95: {  	s3 =	sld [smem:$0x3FFD];
	_ =	sdelay $0x3  }
0x96: {  	_ =	strace s3  }
0x97: {  	_ =	strace $0x8FFFFFFF  }
0x98: {  	s19 =	sld [smem:$0x3FDB];
	_ =	sdelay $0x1  }
0x99: {  	s4 =	simm.s32 $_scs_section_size  }
0x9a: {  	s5 =	simm.s32 $_size__tile_overlayer_lowered;
	s6 =	simm.s32 $_tile_overlayer_lowered  }
0x9b: {  	s22 =	simm.s32 $0x1BFF;
	s21 =	sshll.u32 s6, $0x1;
	s3 =	sadd.s32 s4, s19  }
0x9c: {  	s7 =	simm.s32 $0x0;
	s20 =	sshll.u32 s5, $0x1;
	s5 =	sadd.s32 s21, s3  }
0x9d: {  	[timem:s7], [sflag:s22] =	dma.local [hbm:s5], s20  }
0x9e: {  	_ =	swait.ge [sflag:s22], s20  }
0x9f: {  	s4 =	ssub.s32 $0x0, s20;
	[sflag:s22] =	ssyncset.done $0x0  }
0xa0: {  	[sflag:s22] =	ssyncadd.s32 s4;
	_ =	sdelay $0x1  }
0xa1: {  	s23 =	simm.s32 $0x1B8B  }
0xa2: {  	_ =	swait.ge [sflag:s23], $0x1  }
0xa3: {  	[sflag:s23] =	ssyncset.done $0x0  }
0xa4: {  	s25 =	simm.s32 $0x1B8E;
	s24 =	sld [smem:$0x3FFE];
	[sflag:s23] =	ssyncadd.s32 $0xFFFFFFFF  }
0xa5: {  	s26 =	simm.s32 $execute0_lowered;
	[smem:$0x3FD2] =	sst s25  }
0xa6: {  	s5 =	sshll.u32 s26, $0x1;
	_ =	strace $0x80000046;
	[dreg:$0x1] =	wrdreg $0xFFFFFFFF  }
0xa7: {  	s28 =	simm.s32 $_size_execute0_lowered;
	s3 =	sadd.s32 s3, s5;
	[dreg:$0x0] =	wrdreg $0x0  }
0xa8: {  	s5 =	sshll.u32 s28, $0x1;
	[dreg:$0x2] =	wrdreg s3  }
0xa9: {  	[dreg:$0x3] =	wrdreg s5  }
0xaa: {  	[dreg:$0x4] =	wrdreg $0xC0  }
0xab: {  	_ =	task [dreg:s7], $0x5FFFF  }
0xac: {  	[dreg:$0x1] =	wrdreg $0xFFFFFFFF  }
0xad: {  	[dreg:$0x0] =	wrdreg $0x60  }
0xae: {  	[dreg:$0x2] =	wrdreg s2  }
0xaf: {  	[dreg:$0x3] =	wrdreg s24  }
0xb0: {  	[dreg:$0x4] =	wrdreg $0x1800  }
0xb1: {  	[dreg:$0x5] =	wrdreg $0x9  }
0xb2: {  	_ =	task.clear_ibuf [dreg:s7], $0x6FFFF;
	_ =	strace $0x90000046  }
0xb3: {  	s29 =	simm.s32 $0x9;
	_ =	strace $0x80000048  }
0xb4: {  	_ =	swait.ge [sflag:s29], $0x1  }
0xb5: {  	[sflag:s29] =	ssyncadd.s32 $0xFFFFFFFF  }
0xb6: {  	_ =	strace $0x90000048  }
0xb7: {  	_ =	sfence  }
0xb8: {  	s30 =	sld [smem:$0x0];
	_ =	sdelay $0x2  }
0xb9: {  	s31 =	sshll.u32 s1, $0xD;
	s1 =	sshrl.u32 s1, $0x2  }
0xba: {  	s3 =	sand.u32 $0x4000, s31;
	s1 =	sadd.s32 s1, s30  }
0xbb: {  	s0 =	sor.u32 s3, s0;
	s1 =	sshll.u32 s1, $0x11  }
0xbc: {  	s0 =	sor.u32 s1, s0  }
0xbd: {  	s0 =	sadd.s32 $0x8F2B, s0  }
0xbe: {  	[sflag:s0] =	ssyncadd.remote.s32 $0x1  }
0xbf: {  	_ =	sfence.sel $0xFFFF  }
0xc0: {  	[dreg:$0x0] =	wrdreg $0xFFFFFFFF;
	(pc) =	sbr.abs _section_cstart, $3  }
0xc1: {  	[dreg:$0x1] =	wrdreg $0xFFFFFFFF  }
0xc2: {  	_ =	task.clear_ibuf [dreg:s7], $0x2FFFF;
	_ =	strace $0x9FFFFFFF  }
0xc3: {  	(tm) =	ssettm $0x7FFFFFFF  }
tec
execute0_lowered:
.L_overlay_start_1:
0x0: {  	(tag) =	ssettag $0x1  }
0x1: {  	s0 =	srdreg.scid  }
0x2: {  	s7 =	sand.u32 $0x1, s0;
	s0 =	stileid.u32  }
0x3: {  	s4 =	sshll.u32 s7, $0x4;
	s5 =	ssub.s32 $0x0, s0  }
0x4: {  	p0 =	sne.s32 s4, s5  }
.Ltmp0:
0x5: {  	_ = 	snop;
	(pc) =	sbr.rel @p0 .LBB2_4-.Ltmp0, $4  }
0x6: {  	s3 =	rddreg [dreg:$0x0]  }
0x7: {  	s6 =	rddreg [dreg:$0x1]  }
0x8: {  	s2 =	rddreg [dreg:$0x2]  }
0x9: {  	s1 =	rddreg [dreg:$0x3];
	_ =	strace $0x80000047  }
0xa: {  	s5 =	simm.s32 $0x0;
	s4 =	simm.s32 $0x1  }
0xb: {  	[tilespmem:s5], [sflag:$0x1] =	stream.linear.gather [hbm4b:s3+s5], $0x80, $0x38;
	[tilespmem:$0x188] =	vst v63  }
0xc: {  	_ =	swait.ge [sflag:s4], $0x80  }
0xd: {  	[sflag:s4] =	ssyncset.done $0x0  }
0xe: {  	v0 =	vimm.s32 $0x1;
	[sflag:s4] =	ssyncadd.s32 $0xFFFFFF80  }
0xf: {  	[tilespmem:$0xF0] =	vst v0  }
0x10: {  	[tilespmem:$0xE0] =	vst v0  }
0x11: {  	s7 =	ssub.s32 $0x2, s7;
	[tilespmem:$0xD0] =	vst v0  }
0x12: {  	s8 =	sshrl.u32 s7, $0x1;
	[tilespmem:$0xC0] =	vst v0  }
0x13: {  	s7 =	ssub.s32 s7, s8;
	[tilespmem:$0xB0] =	vst v0  }
0x14: {  	s11 =	smax.u32 s7, $0x1;
	[tilespmem:$0xA0] =	vst v0  }
0x15: {  	p0 =	sne.s32 s11, $0x1;
	[tilespmem:$0x90] =	vst v0  }
.Ltmp1:
0x16: {  	v1 =	vimm.s32 $0x0;
	[tilespmem:$0x80] =	vst v0;
	(pc) =	sbr.rel @!p0 .LBB2_3-.Ltmp1, $4  }
0x17: {  	[tilespmem:$0x130] =	vst v1  }
0x18: {  	s6 =	sadd.s32 $0x600, s6;
	[tilespmem:$0x120] =	vst v1  }
0x19: {  	s10 =	simm.s32 $0x100;
	s31 =	sshll.u32 s0, $0x6;
	s9 =	sshrl.u32 s2, $0x3;
	[tilespmem:$0x100] =	vst v1  }
0x1a: {  	s8 =	sor.u32 $0x1C01, s31;
	s7 =	simm.s32 $0x80;
	s11 =	sadd.s32 $0xFFFFFFFF, s11;
	[tilespmem:$0x110] =	vst v1  }
.LBB2_2:
0x1b: {  	[spmem:s2] =	stream.linear.scatter [tilespmem:s10], [sflag:$0x1], $0x80, $0x38;
	[tilespmem:$0x188] =	vst v63  }
0x1c: {  	p0 =	sne.s32 s11, $0x1;
	s11 =	sadd.s32 $0xFFFFFFFF, s11;
	_ =	swait.ge [sflag:s4], $0x80  }
0x1d: {  	[sflag:s4] =	ssyncset.done $0x0  }
0x1e: {  	[sflag:s4] =	ssyncadd.s32 $0xFFFFFF80  }
0x1f: {  	[spmem:s2] =	stream.indirect.scatter.add.s32 [tilespmem:s7], [sflag:$0x1], $0x1, s5, s7, $0xb8;
	[tilespmem:$0x188] =	vst v63  }
0x20: {  	_ =	swait.ge [sflag:s4], $0x80  }
0x21: {  	[sflag:s4] =	ssyncset.done $0x0  }
0x22: {  	[sflag:s4] =	ssyncadd.s32 $0xFFFFFF80  }
0x23: {  	[hbm:s6], [sflag:s8] =	dma.local [spmem:s9], $0x10  }
0x24: {  	_ =	swait.ge [sflag:s4], $0x10  }
0x25: {  	[sflag:s4] =	ssyncset.done $0x0  }
0x26: {  	[sflag:s4] =	ssyncadd.s32 $0xFFFFFFF0  }
0x27: {  	[tilespmem:s5], [sflag:$0x1] =	stream.linear.gather [hbm4b:s3+s5], $0x80, $0x38;
	[tilespmem:$0x188] =	vst v63  }
0x28: {  	_ =	swait.ge [sflag:s4], $0x80  }
0x29: {  	[sflag:s4] =	ssyncset.done $0x0  }
0x2a: {  	[sflag:s4] =	ssyncadd.s32 $0xFFFFFF80  }
0x2b: {  	[tilespmem:$0xF0] =	vst v0  }
0x2c: {  	[tilespmem:$0xE0] =	vst v0  }
0x2d: {  	[tilespmem:$0xD0] =	vst v0  }
0x2e: {  	[tilespmem:$0xC0] =	vst v0  }
0x2f: {  	[tilespmem:$0xB0] =	vst v0  }
0x30: {  	[tilespmem:$0xA0] =	vst v0  }
0x31: {  	[tilespmem:$0x90] =	vst v0  }
.Ltmp2:
0x32: {  	[tilespmem:$0x80] =	vst v0;
	(pc) =	sbr.rel @p0 .LBB2_2-.Ltmp2, $4  }
0x33: {  	[tilespmem:$0x130] =	vst v1  }
0x34: {  	[tilespmem:$0x120] =	vst v1  }
0x35: {  	[tilespmem:$0x100] =	vst v1  }
0x36: {  	[tilespmem:$0x110] =	vst v1  }
.LBB2_3:
0x37: {  	[spmem:s2] =	stream.linear.scatter [tilespmem:s10], [sflag:$0x1], $0x80, $0x38;
	[tilespmem:$0x188] =	vst v63  }
0x38: {  	_ =	swait.ge [sflag:s4], $0x80  }
0x39: {  	[sflag:s4] =	ssyncset.done $0x0  }
0x3a: {  	[sflag:s4] =	ssyncadd.s32 $0xFFFFFF80  }
0x3b: {  	[spmem:s2] =	stream.indirect.scatter.add.s32 [tilespmem:s7], [sflag:$0x1], $0x1, s5, s7, $0xb8;
	[tilespmem:$0x188] =	vst v63  }
0x3c: {  	_ =	swait.ge [sflag:s4], $0x80  }
0x3d: {  	[sflag:s4] =	ssyncset.done $0x0  }
0x3e: {  	[sflag:s4] =	ssyncadd.s32 $0xFFFFFF80  }
0x3f: {  	[hbm:s6], [sflag:s8] =	dma.local [spmem:s9], $0x10  }
0x40: {  	_ =	swait.ge [sflag:s4], $0x10  }
0x41: {  	[sflag:s4] =	ssyncset.done $0x0  }
0x42: {  	[sflag:s4] =	ssyncadd.s32 $0xFFFFFFF0  }
.LBB2_4:
0x43: {  	_ =	sfence.sel $0x180000  }
0x44: {  	[bflag:$0x0] =	sbarrier.arrive $0xFFFF  }
0x45: {  	p0 =	sne.s32 s0, $0x0;
	_ =	strace $0x90000047  }
0x46: {  	s0 =	sadd.s32 @!p0 $0x100000, s1;
	[bflag:$0x2] =	sbarrier.arrive $0xFFFF  }
0x47: {  	[sflag:s0] =	ssyncadd.tile.s32 @!p0 $0x1;
	_ =	shalt  }
.Lfunc_end2:
_tile_overlayer_lowered:
.L_overlay_start_2:
0x48: {  	(tag) =	ssettag $0x2  }
0x49: {  	s0 =	rddreg [dreg:$0x0];
	s2 =	stileid.u32  }
0x4a: {  	s1 =	rddreg [dreg:$0x1];
	p0 =	sne.s32 s2, $0x0  }
0x4b: {  	s3 =	rddreg [dreg:$0x2];
	[bflag:$0x3] =	sbarrier.arrive $0xFFFF;
	s2 =	simm.s32 @!p0 $0x1C01  }
0x4c: {  	[timem:s3], [sflag:s2] =	dma.local @!p0 [hbm:s0], s1  }
0x4d: {  	s0 =	simm.s32 @!p0 $0x1  }
0x4e: {  	_ =	swait.ge @!p0 [sflag:s0], s1  }
0x4f: {  	s1 =	ssub.s32 @!p0 $0x0, s1;
	[sflag:s0] =	ssyncset.done @!p0 $0x0  }
0x50: {  	[sflag:s0] =	ssyncadd.s32 @!p0 s1  }
0x51: {  	[bflag:$0x3] =	sbarrier.arrive $0xFFFF  }
0x52: {  	_ =	shalt  }

</sc_bundles>
